<compile_context>
chip_gen: v7x
topology: tpu7x:2x2x1
jax: 0.10.2.dev20260603
libtpu: 0.0.44.dev20260713+nightly
codegen_flags: <defaults>
</compile_context>

<pallas_src>
import functools

import jax
import jax.numpy as jnp
from jax.experimental import pallas as pl
from jax.experimental.pallas import tpu as pltpu
import jax.experimental.pallas.tpu_sc as plsc

NG = 2
NV = 320
GV = NG * NV
VD = 128

_SC_CORES = 2
_SC_SUBCORES = 16
_SC_TILES = _SC_CORES * _SC_SUBCORES


def _tc_kernel(x_ref, wt_ref, b_ref, i0_ref, i1_ref, cp_ref, pp_ref,
               hist_ref, psum_ref, *, total_rows):
    step = pl.program_id(0)
    nsteps = pl.num_programs(0)

    x = x_ref[...]
    logits = jnp.dot(x, wt_ref[...],
                     preferred_element_type=jnp.float32) + b_ref[...]

    col = jax.lax.broadcasted_iota(jnp.int32, logits.shape, 1)
    g0 = col < NV
    neg = jnp.float32(-jnp.inf)
    m0 = jnp.where(g0, logits, neg)
    m1 = jnp.where(g0, neg, logits)
    mx0 = jnp.max(m0, axis=1, keepdims=True)
    mx1 = jnp.max(m1, axis=1, keepdims=True)
    big = jnp.int32(GV)
    idx0 = jnp.min(jnp.where(m0 == mx0, col, big), axis=1, keepdims=True)
    idx1 = jnp.min(jnp.where(m1 == mx1, col, big), axis=1, keepdims=True)
    i0_ref[...] = idx0
    i1_ref[...] = idx1
    oh0 = (col == idx0).astype(jnp.float32)
    oh1 = (col == idx1).astype(jnp.float32)

    e0 = jnp.exp(m0 - mx0)
    e1 = jnp.exp(m1 - mx1)
    p = (e0 / jnp.sum(e0, axis=1, keepdims=True)
         + e1 / jnp.sum(e1, axis=1, keepdims=True))

    hist_inc = jnp.sum(oh0 + oh1, axis=0, keepdims=True)
    psum_inc = jnp.sum(p, axis=0, keepdims=True)

    @pl.when(step == 0)
    def _():
        hist_ref[...] = hist_inc
        psum_ref[...] = psum_inc

    @pl.when(step != 0)
    def _():
        hist_ref[...] += hist_inc
        psum_ref[...] += psum_inc

    @pl.when(step == nsteps - 1)
    def _():
        inv = jnp.float32(1.0 / total_rows)
        grow = jax.lax.broadcasted_iota(jnp.int32, (1, GV), 1) < NV

        def pplx(pr):
            t = pr * jnp.log(pr + 1e-7)
            s0 = jnp.sum(jnp.where(grow, t, 0.0))
            s1 = jnp.sum(jnp.where(grow, 0.0, t))
            return jnp.exp(-s0) + jnp.exp(-s1)

        cp_ref[...] = jnp.broadcast_to(pplx(hist_ref[...] * inv), (1, 1))
        pp_ref[...] = jnp.broadcast_to(pplx(psum_ref[...] * inv), (1, 1))


def _sc_gather(i0_hbm, i1_hbm, cb_hbm, q_hbm, idx0_v, idx1_v, buf0, buf1,
               *, rows_per_tile):
    c = jax.lax.axis_index("c")
    s = jax.lax.axis_index("s")
    tid = c * _SC_SUBCORES + s
    base = tid * rows_per_tile
    rpt = rows_per_tile
    pltpu.sync_copy(i0_hbm.at[pl.ds(base, rpt)], idx0_v)
    pltpu.sync_copy(i1_hbm.at[pl.ds(base, rpt)], idx1_v)
    pltpu.sync_copy(cb_hbm.at[idx0_v], buf0)
    pltpu.sync_copy(cb_hbm.at[idx1_v], buf1)
    pltpu.sync_copy(buf0, q_hbm.at[pl.ds(base, rpt), pl.ds(0, VD)])
    pltpu.sync_copy(buf1, q_hbm.at[pl.ds(base, rpt), pl.ds(VD, VD)])


def kernel(x, codebook, W, b):
    bsz, tsz, fsz = x.shape
    xf = x.reshape(-1, fsz)
    rows = xf.shape[0]
    R = 512
    grid = rows // R
    wt = W.T
    cb = codebook[0]
    b2 = b.reshape(1, GV)

    i0, i1, cp, pp = pl.pallas_call(
        functools.partial(_tc_kernel, total_rows=rows),
        grid=(grid,),
        in_specs=[
            pl.BlockSpec((R, fsz), lambda i: (i, 0)),
            pl.BlockSpec((fsz, GV), lambda i: (0, 0)),
            pl.BlockSpec((1, GV), lambda i: (0, 0)),
        ],
        out_specs=[
            pl.BlockSpec((R, 1), lambda i: (i, 0)),
            pl.BlockSpec((R, 1), lambda i: (i, 0)),
            pl.BlockSpec((1, 1), lambda i: (0, 0)),
            pl.BlockSpec((1, 1), lambda i: (0, 0)),
        ],
        out_shape=[
            jax.ShapeDtypeStruct((rows, 1), jnp.int32),
            jax.ShapeDtypeStruct((rows, 1), jnp.int32),
            jax.ShapeDtypeStruct((1, 1), jnp.float32),
            jax.ShapeDtypeStruct((1, 1), jnp.float32),
        ],
        scratch_shapes=[
            pltpu.VMEM((1, GV), jnp.float32),
            pltpu.VMEM((1, GV), jnp.float32),
        ],
    )(xf, wt, b2)

    rpt = rows // _SC_TILES
    sc_fn = pl.kernel(
        functools.partial(_sc_gather, rows_per_tile=rpt),
        out_type=jax.ShapeDtypeStruct((rows, NG * VD), jnp.float32),
        mesh=plsc.VectorSubcoreMesh(
            core_axis_name="c", subcore_axis_name="s",
            num_cores=_SC_CORES, num_subcores=_SC_SUBCORES),
        scratch_types=[
            pltpu.VMEM((rpt,), jnp.int32),
            pltpu.VMEM((rpt,), jnp.int32),
            pltpu.VMEM((rpt, VD), jnp.float32),
            pltpu.VMEM((rpt, VD), jnp.float32),
        ],
    )
    q = sc_fn(i0.reshape(rows), i1.reshape(rows), cb)

    return (q.reshape(bsz, tsz, NG * VD), codebook.shape[1],
            cp[0, 0], pp[0, 0])

# --- scband reference (transcript-rebuilt; emitter-appended) ---
"""Pipeline reference for scband-gumbel-vector-quantizer-11940009083260 (READ-ONLY COPY).

The authoritative reference and input builder live on the scoring server;
editing this copy changes nothing except your own understanding.
"""

import jax, jax.numpy as jnp
import numpy as np

NUM_GROUPS = 2
NUM_VARS = 320
INPUT_DIM = 768
VQ_DIM = 256
VAR_DIM = VQ_DIM // NUM_GROUPS

def setup_inputs(seed: int = 0) -> dict:
    key = jax.random.key(seed)
    k1, k2, k3 = jax.random.split(key, 3)
    x = jax.random.normal(k1, (4, 2048, INPUT_DIM), dtype=jnp.float32)
    # nn.Parameter(torch.FloatTensor(1, G*V, var_dim)) with uniform_ init -> U[0,1)
    codebook = jax.random.uniform(k2, (1, NUM_GROUPS * NUM_VARS, VAR_DIM), dtype=jnp.float32)
    # weight_proj: Linear(input_dim, G*V); weight normal(0,1), bias zeros
    W = jax.random.normal(k3, (NUM_GROUPS * NUM_VARS, INPUT_DIM), dtype=jnp.float32)
    b = jnp.zeros((NUM_GROUPS * NUM_VARS,), dtype=jnp.float32)
    return {"x": x, "codebook": codebook, "W": W, "b": b}

def reference(x, codebook, W, b):
    # eval-mode forward (self.training == False): hard argmax one-hot selection
    bsz, tsz, fsz = x.shape
    xf = x.reshape(-1, fsz)
    logits = xf @ W.T + b  # [B*T, G*V]
    lg = logits.reshape(bsz * tsz * NUM_GROUPS, -1)  # [B*T*G, V]
    k = jnp.argmax(lg, axis=-1)
    # scatter_ of 1.0 at argmax == one-hot
    hard_x = jax.nn.one_hot(k, NUM_VARS, dtype=lg.dtype).reshape(bsz * tsz, NUM_GROUPS, -1)
    hard_probs = jnp.mean(hard_x.astype(jnp.float32), axis=0)
    code_perplexity = jnp.exp(-jnp.sum(hard_probs * jnp.log(hard_probs + 1e-07), axis=-1)).sum()
    avg_probs = jax.nn.softmax(lg.reshape(bsz * tsz, NUM_GROUPS, -1).astype(jnp.float32), axis=-1).mean(axis=0)
    prob_perplexity = jnp.exp(-jnp.sum(avg_probs * jnp.log(avg_probs + 1e-07), axis=-1)).sum()
    codeword_probs = hard_x.reshape(bsz * tsz, -1)  # [B*T, G*V]
    q = codeword_probs[:, :, None] * codebook  # [B*T, G*V, var_dim]
    q = q.reshape(bsz * tsz, NUM_GROUPS, NUM_VARS, -1)
    q = q.sum(-2)
    q = q.reshape(bsz, tsz, -1)
    return (q, NUM_VARS * NUM_GROUPS, code_perplexity, prob_perplexity)

if __name__ == "__main__":
    import jax
    _d = setup_inputs()
    print(jax.jit(kernel)(*tuple(_d.values())))

</pallas_src>

<mosaic_0001>
#map = affine_map<(d0, d1) -> (0)>
#map1 = affine_map<(d0, d1) -> (0, 0)>
module attributes {stable_mosaic.version = 14 : i64} {
  func.func @_sc_gather(%arg0: i32, %arg1: i32, %arg2: memref<8192xi32, #tpu.memory_space<hbm>>, %arg3: memref<8192xi32, #tpu.memory_space<hbm>>, %arg4: memref<640x128xf32, #tpu.memory_space<hbm>>, %arg5: memref<8192x256xf32, #tpu.memory_space<hbm>>, %arg6: memref<256xi32, #tpu.memory_space<vmem>>, %arg7: memref<256xi32, #tpu.memory_space<vmem>>, %arg8: memref<256x128xf32, #tpu.memory_space<vmem>>, %arg9: memref<256x128xf32, #tpu.memory_space<vmem>>) attributes {dimension_semantics = [#tpu.dimension_semantics<core_parallel>, #tpu.dimension_semantics<subcore_parallel>], iteration_bounds = array<i64: 2, 16>, scalar_prefetch = 0 : i64, scratch_operands = 4 : i64, tpu.core_type = #tpu.core_type<sc_vector_subcore>, window_params = [{transform_indices = #map}, {transform_indices = #map}, {transform_indices = #map1}, {transform_indices = #map1}]} {
    %mul3A = arith.constant 16 : i32
    %mul3A_0 = arith.muli %arg0, %mul3A : i32
    %add3A = arith.addi %mul3A_0, %arg1 : i32
    %mul3A_1 = arith.constant 256 : i32
    %mul3A_2 = arith.muli %add3A, %mul3A_1 : i32
    "tpu.region"() ({
      %run_scoped3A = tpu.sem_alloc : memref<!tpu.dma_semaphore, #tpu.memory_space<semaphore_mem>>
      %dma_start3A = tpu.memref_slice %arg2[%mul3A_2] : memref<8192xi32, #tpu.memory_space<hbm>> -> memref<256xi32, #tpu.memory_space<hbm>>
      %dma_start3A_3 = tpu.memref_slice %arg2[%mul3A_2] : memref<8192xi32, #tpu.memory_space<hbm>> -> memref<256xi32, #tpu.memory_space<hbm>>
      tpu.enqueue_dma source(%dma_start3A_3 : memref<256xi32, #tpu.memory_space<hbm>>) target(%arg6 : memref<256xi32, #tpu.memory_space<vmem>>) target_semaphore(%run_scoped3A : memref<!tpu.dma_semaphore, #tpu.memory_space<semaphore_mem>>)
      %dma_wait3A = tpu.memref_slice %arg2[%mul3A_2] : memref<8192xi32, #tpu.memory_space<hbm>> -> memref<256xi32, #tpu.memory_space<hbm>>
      %dma_wait3A_4 = tpu.memref_slice %arg2[%mul3A_2] : memref<8192xi32, #tpu.memory_space<hbm>> -> memref<256xi32, #tpu.memory_space<hbm>>
      tpu.wait_dma2 semaphore(%run_scoped3A : memref<!tpu.dma_semaphore, #tpu.memory_space<semaphore_mem>>) src(%dma_wait3A_4 : memref<256xi32, #tpu.memory_space<hbm>>) dst(%arg6 : memref<256xi32, #tpu.memory_space<vmem>>)
      tpu.yield
    }) : () -> ()
    "tpu.region"() ({
      %run_scoped3A = tpu.sem_alloc : memref<!tpu.dma_semaphore, #tpu.memory_space<semaphore_mem>>
      %dma_start3A = tpu.memref_slice %arg3[%mul3A_2] : memref<8192xi32, #tpu.memory_space<hbm>> -> memref<256xi32, #tpu.memory_space<hbm>>
      %dma_start3A_3 = tpu.memref_slice %arg3[%mul3A_2] : memref<8192xi32, #tpu.memory_space<hbm>> -> memref<256xi32, #tpu.memory_space<hbm>>
      tpu.enqueue_dma source(%dma_start3A_3 : memref<256xi32, #tpu.memory_space<hbm>>) target(%arg7 : memref<256xi32, #tpu.memory_space<vmem>>) target_semaphore(%run_scoped3A : memref<!tpu.dma_semaphore, #tpu.memory_space<semaphore_mem>>)
      %dma_wait3A = tpu.memref_slice %arg3[%mul3A_2] : memref<8192xi32, #tpu.memory_space<hbm>> -> memref<256xi32, #tpu.memory_space<hbm>>
      %dma_wait3A_4 = tpu.memref_slice %arg3[%mul3A_2] : memref<8192xi32, #tpu.memory_space<hbm>> -> memref<256xi32, #tpu.memory_space<hbm>>
      tpu.wait_dma2 semaphore(%run_scoped3A : memref<!tpu.dma_semaphore, #tpu.memory_space<semaphore_mem>>) src(%dma_wait3A_4 : memref<256xi32, #tpu.memory_space<hbm>>) dst(%arg7 : memref<256xi32, #tpu.memory_space<vmem>>)
      tpu.yield
    }) : () -> ()
    "tpu.region"() ({
      %run_scoped3A = tpu.sem_alloc : memref<!tpu.dma_semaphore, #tpu.memory_space<semaphore_mem>>
      %dma_start3A = arith.constant 0 : i32
      %dma_start3A_3 = arith.constant 0 : i32
      %dma_start3A_4 = tpu.memref_slice %arg4[%dma_start3A, %dma_start3A_3] : memref<640x128xf32, #tpu.memory_space<hbm>> -> memref<640x128xf32, #tpu.memory_space<hbm>>
      tpu.enqueue_indirect_dma source(%dma_start3A_4 : memref<640x128xf32, #tpu.memory_space<hbm>>) target(%arg8 : memref<256x128xf32, #tpu.memory_space<vmem>>) offsets(%arg6 : memref<256xi32, #tpu.memory_space<vmem>>) semaphore(%run_scoped3A : memref<!tpu.dma_semaphore, #tpu.memory_space<semaphore_mem>>)
      %dma_wait3A = arith.constant 0 : i32
      %dma_wait3A_5 = arith.constant 0 : i32
      %dma_wait3A_6 = tpu.memref_slice %arg4[%dma_wait3A, %dma_wait3A_5] : memref<640x128xf32, #tpu.memory_space<hbm>> -> memref<640x128xf32, #tpu.memory_space<hbm>>
      tpu.wait_indirect_dma semaphore(%run_scoped3A : memref<!tpu.dma_semaphore, #tpu.memory_space<semaphore_mem>>) src(%dma_wait3A_6 : memref<640x128xf32, #tpu.memory_space<hbm>>) dst(%arg8 : memref<256x128xf32, #tpu.memory_space<vmem>>)
      tpu.yield
    }) : () -> ()
    "tpu.region"() ({
      %run_scoped3A = tpu.sem_alloc : memref<!tpu.dma_semaphore, #tpu.memory_space<semaphore_mem>>
      %dma_start3A = arith.constant 0 : i32
      %dma_start3A_3 = arith.constant 0 : i32
      %dma_start3A_4 = tpu.memref_slice %arg4[%dma_start3A, %dma_start3A_3] : memref<640x128xf32, #tpu.memory_space<hbm>> -> memref<640x128xf32, #tpu.memory_space<hbm>>
      tpu.enqueue_indirect_dma source(%dma_start3A_4 : memref<640x128xf32, #tpu.memory_space<hbm>>) target(%arg9 : memref<256x128xf32, #tpu.memory_space<vmem>>) offsets(%arg7 : memref<256xi32, #tpu.memory_space<vmem>>) semaphore(%run_scoped3A : memref<!tpu.dma_semaphore, #tpu.memory_space<semaphore_mem>>)
      %dma_wait3A = arith.constant 0 : i32
      %dma_wait3A_5 = arith.constant 0 : i32
      %dma_wait3A_6 = tpu.memref_slice %arg4[%dma_wait3A, %dma_wait3A_5] : memref<640x128xf32, #tpu.memory_space<hbm>> -> memref<640x128xf32, #tpu.memory_space<hbm>>
      tpu.wait_indirect_dma semaphore(%run_scoped3A : memref<!tpu.dma_semaphore, #tpu.memory_space<semaphore_mem>>) src(%dma_wait3A_6 : memref<640x128xf32, #tpu.memory_space<hbm>>) dst(%arg9 : memref<256x128xf32, #tpu.memory_space<vmem>>)
      tpu.yield
    }) : () -> ()
    "tpu.region"() ({
      %run_scoped3A = tpu.sem_alloc : memref<!tpu.dma_semaphore, #tpu.memory_space<semaphore_mem>>
      %dma_start3A = arith.constant 0 : i32
      %dma_start3A_3 = tpu.memref_slice %arg5[%mul3A_2, %dma_start3A] : memref<8192x256xf32, #tpu.memory_space<hbm>> -> memref<256x128xf32, #tpu.memory_space<hbm>>
      %dma_start3A_4 = arith.constant 0 : i32
      %dma_start3A_5 = tpu.memref_slice %arg5[%mul3A_2, %dma_start3A_4] : memref<8192x256xf32, #tpu.memory_space<hbm>> -> memref<256x128xf32, #tpu.memory_space<hbm>>
      tpu.enqueue_dma source(%arg8 : memref<256x128xf32, #tpu.memory_space<vmem>>) target(%dma_start3A_5 : memref<256x128xf32, #tpu.memory_space<hbm>>) target_semaphore(%run_scoped3A : memref<!tpu.dma_semaphore, #tpu.memory_space<semaphore_mem>>)
      %dma_wait3A = arith.constant 0 : i32
      %dma_wait3A_6 = tpu.memref_slice %arg5[%mul3A_2, %dma_wait3A] : memref<8192x256xf32, #tpu.memory_space<hbm>> -> memref<256x128xf32, #tpu.memory_space<hbm>>
      %dma_wait3A_7 = arith.constant 0 : i32
      %dma_wait3A_8 = tpu.memref_slice %arg5[%mul3A_2, %dma_wait3A_7] : memref<8192x256xf32, #tpu.memory_space<hbm>> -> memref<256x128xf32, #tpu.memory_space<hbm>>
      tpu.wait_dma2 semaphore(%run_scoped3A : memref<!tpu.dma_semaphore, #tpu.memory_space<semaphore_mem>>) src(%arg8 : memref<256x128xf32, #tpu.memory_space<vmem>>) dst(%dma_wait3A_8 : memref<256x128xf32, #tpu.memory_space<hbm>>)
      tpu.yield
    }) : () -> ()
    "tpu.region"() ({
      %run_scoped3A = tpu.sem_alloc : memref<!tpu.dma_semaphore, #tpu.memory_space<semaphore_mem>>
      %dma_start3A = arith.constant 128 : i32
      %dma_start3A_3 = tpu.memref_slice %arg5[%mul3A_2, %dma_start3A] : memref<8192x256xf32, #tpu.memory_space<hbm>> -> memref<256x128xf32, #tpu.memory_space<hbm>>
      %dma_start3A_4 = arith.constant 128 : i32
      %dma_start3A_5 = tpu.memref_slice %arg5[%mul3A_2, %dma_start3A_4] : memref<8192x256xf32, #tpu.memory_space<hbm>> -> memref<256x128xf32, #tpu.memory_space<hbm>>
      tpu.enqueue_dma source(%arg9 : memref<256x128xf32, #tpu.memory_space<vmem>>) target(%dma_start3A_5 : memref<256x128xf32, #tpu.memory_space<hbm>>) target_semaphore(%run_scoped3A : memref<!tpu.dma_semaphore, #tpu.memory_space<semaphore_mem>>)
      %dma_wait3A = arith.constant 128 : i32
      %dma_wait3A_6 = tpu.memref_slice %arg5[%mul3A_2, %dma_wait3A] : memref<8192x256xf32, #tpu.memory_space<hbm>> -> memref<256x128xf32, #tpu.memory_space<hbm>>
      %dma_wait3A_7 = arith.constant 128 : i32
      %dma_wait3A_8 = tpu.memref_slice %arg5[%mul3A_2, %dma_wait3A_7] : memref<8192x256xf32, #tpu.memory_space<hbm>> -> memref<256x128xf32, #tpu.memory_space<hbm>>
      tpu.wait_dma2 semaphore(%run_scoped3A : memref<!tpu.dma_semaphore, #tpu.memory_space<semaphore_mem>>) src(%arg9 : memref<256x128xf32, #tpu.memory_space<vmem>>) dst(%dma_wait3A_8 : memref<256x128xf32, #tpu.memory_space<hbm>>)
      tpu.yield
    }) : () -> ()
    return
  }
}

module attributes {stable_mosaic.version = 14 : i64} {
  func.func @_tc_kernel(%arg0: i32, %arg1: memref<512x768xf32, #tpu.memory_space<vmem>>, %arg2: memref<768x640xf32, #tpu.memory_space<vmem>>, %arg3: memref<1x640xf32, #tpu.memory_space<vmem>>, %arg4: memref<512x1xi32, #tpu.memory_space<vmem>>, %arg5: memref<512x1xi32, #tpu.memory_space<vmem>>, %arg6: memref<1x1xf32, #tpu.memory_space<vmem>>, %arg7: memref<1x1xf32, #tpu.memory_space<vmem>>, %arg8: memref<1x640xf32, #tpu.memory_space<vmem>>, %arg9: memref<1x640xf32, #tpu.memory_space<vmem>>) attributes {dimension_semantics = [#tpu.dimension_semantics<arbitrary>], iteration_bounds = array<i64: 16>, scalar_prefetch = 0 : i64, scratch_operands = 2 : i64, tpu.core_type = #tpu.core_type<tc>, window_params = [{transform_indices = @transform_0, window_bounds = array<i64: 512, 768>}, {pipeline_mode = #tpu.pipeline_mode<synchronous>, transform_indices = @transform_1, window_bounds = array<i64: 768, 640>}, {pipeline_mode = #tpu.pipeline_mode<synchronous>, transform_indices = @transform_2, window_bounds = array<i64: 1, 640>}, {transform_indices = @transform_3, window_bounds = array<i64: 512, 1>}, {transform_indices = @transform_4, window_bounds = array<i64: 512, 1>}, {pipeline_mode = #tpu.pipeline_mode<synchronous>, transform_indices = @transform_5, window_bounds = array<i64: 1, 1>}, {pipeline_mode = #tpu.pipeline_mode<synchronous>, transform_indices = @transform_6, window_bounds = array<i64: 1, 1>}]} {
    %get3A = arith.constant 0 : index
    %get3A_0 = arith.constant 0 : index
    %get3A_1 = vector.load %arg1[%get3A, %get3A_0] : memref<512x768xf32, #tpu.memory_space<vmem>>, vector<512x768xf32>
    %get3A_2 = arith.constant 0 : index
    %get3A_3 = arith.constant 0 : index
    %get3A_4 = vector.load %arg2[%get3A_2, %get3A_3] : memref<768x640xf32, #tpu.memory_space<vmem>>, vector<768x640xf32>
    %dot_general3A = arith.constant dense<0.000000e+00> : vector<512x640xf32>
    %dot_general3A_5 = tpu.matmul %get3A_1, %get3A_4, %dot_general3A {dimension_numbers = #tpu.dot_dimension_numbers<[1], [0], [0], [1], [0, 0, 1, 1], [], []>, transpose_lhs_hint = false} : vector<512x768xf32>, vector<768x640xf32>, vector<512x640xf32> -> vector<512x640xf32>
    %get3A_6 = arith.constant 0 : index
    %get3A_7 = arith.constant 0 : index
    %get3A_8 = vector.load %arg3[%get3A_6, %get3A_7] : memref<1x640xf32, #tpu.memory_space<vmem>>, vector<1x640xf32>
    %add3A = vector.broadcast %get3A_8 : vector<1x640xf32> to vector<512x640xf32>
    %add3A_9 = arith.addf %dot_general3A_5, %add3A : vector<512x640xf32>
    %iota3A = tpu.iota {dimensions = array<i32: 1>} : vector<512x640xi32>
    %lt3A = arith.constant 320 : i32
    %lt3A_10 = vector.broadcast %lt3A : i32 to vector<512x640xi32>
    %lt3A_11 = arith.cmpi slt, %iota3A, %lt3A_10 : vector<512x640xi32>
    %jit3A = arith.constant 0xFF800000 : f32
    %broadcast_in_dim3A = vector.broadcast %jit3A : f32 to vector<512x640xf32>
    %select_n3A = arith.select %lt3A_11, %add3A_9, %broadcast_in_dim3A : vector<512x640xi1>, vector<512x640xf32>
    %jit3A_12 = arith.constant 0xFF800000 : f32
    %broadcast_in_dim3A_13 = vector.broadcast %jit3A_12 : f32 to vector<512x640xf32>
    %select_n3A_14 = arith.select %lt3A_11, %broadcast_in_dim3A_13, %add3A_9 : vector<512x640xi1>, vector<512x640xf32>
    %reduce_max3A = arith.constant dense<0xFF800000> : vector<512xf32>
    %reduce_max3A_15 = vector.multi_reduction <maximumf>, %select_n3A, %reduce_max3A [1] : vector<512x640xf32> to vector<512xf32>
    %broadcast_in_dim3A_16 = vector.shape_cast %reduce_max3A_15 : vector<512xf32> to vector<512x1xf32>
    %reduce_max3A_17 = arith.constant dense<0xFF800000> : vector<512xf32>
    %reduce_max3A_18 = vector.multi_reduction <maximumf>, %select_n3A_14, %reduce_max3A_17 [1] : vector<512x640xf32> to vector<512xf32>
    %broadcast_in_dim3A_19 = vector.shape_cast %reduce_max3A_18 : vector<512xf32> to vector<512x1xf32>
    %eq3A = vector.broadcast %broadcast_in_dim3A_16 : vector<512x1xf32> to vector<512x640xf32>
    %eq3A_20 = arith.cmpf oeq, %select_n3A, %eq3A : vector<512x640xf32>
    %jit3A_21 = arith.constant 640 : i32
    %broadcast_in_dim3A_22 = vector.broadcast %jit3A_21 : i32 to vector<512x640xi32>
    %select_n3A_23 = arith.select %eq3A_20, %iota3A, %broadcast_in_dim3A_22 : vector<512x640xi1>, vector<512x640xi32>
    %reduce_min3A = arith.constant dense<2147483647> : vector<512xi32>
    %reduce_min3A_24 = vector.multi_reduction <minsi>, %select_n3A_23, %reduce_min3A [1] : vector<512x640xi32> to vector<512xi32>
    %broadcast_in_dim3A_25 = vector.shape_cast %reduce_min3A_24 : vector<512xi32> to vector<512x1xi32>
    %eq3A_26 = vector.broadcast %broadcast_in_dim3A_19 : vector<512x1xf32> to vector<512x640xf32>
    %eq3A_27 = arith.cmpf oeq, %select_n3A_14, %eq3A_26 : vector<512x640xf32>
    %jit3A_28 = arith.constant 640 : i32
    %broadcast_in_dim3A_29 = vector.broadcast %jit3A_28 : i32 to vector<512x640xi32>
    %select_n3A_30 = arith.select %eq3A_27, %iota3A, %broadcast_in_dim3A_29 : vector<512x640xi1>, vector<512x640xi32>
    %reduce_min3A_31 = arith.constant dense<2147483647> : vector<512xi32>
    %reduce_min3A_32 = vector.multi_reduction <minsi>, %select_n3A_30, %reduce_min3A_31 [1] : vector<512x640xi32> to vector<512xi32>
    %broadcast_in_dim3A_33 = vector.shape_cast %reduce_min3A_32 : vector<512xi32> to vector<512x1xi32>
    %swap3A = arith.constant 0 : index
    %swap3A_34 = arith.constant 0 : index
    %swap3A_35 = vector.load %arg4[%swap3A, %swap3A_34] : memref<512x1xi32, #tpu.memory_space<vmem>>, vector<512x1xi32>
    tpu.vector_store %arg4[%swap3A, %swap3A_34], %broadcast_in_dim3A_25 {strides = array<i32>} : memref<512x1xi32, #tpu.memory_space<vmem>>, vector<512x1xi32>,
    %swap3A_36 = arith.constant 0 : index
    %swap3A_37 = arith.constant 0 : index
    %swap3A_38 = vector.load %arg5[%swap3A_36, %swap3A_37] : memref<512x1xi32, #tpu.memory_space<vmem>>, vector<512x1xi32>
    tpu.vector_store %arg5[%swap3A_36, %swap3A_37], %broadcast_in_dim3A_33 {strides = array<i32>} : memref<512x1xi32, #tpu.memory_space<vmem>>, vector<512x1xi32>,
    %eq3A_39 = vector.broadcast %broadcast_in_dim3A_25 : vector<512x1xi32> to vector<512x640xi32>
    %eq3A_40 = arith.cmpi eq, %iota3A, %eq3A_39 : vector<512x640xi32>
    %convert_element_type3A = arith.extui %eq3A_40 : vector<512x640xi1> to vector<512x640xi32>
    %convert_element_type3A_41 = arith.sitofp %convert_element_type3A : vector<512x640xi32> to vector<512x640xf32>
    %eq3A_42 = vector.broadcast %broadcast_in_dim3A_33 : vector<512x1xi32> to vector<512x640xi32>
    %eq3A_43 = arith.cmpi eq, %iota3A, %eq3A_42 : vector<512x640xi32>
    %convert_element_type3A_44 = arith.extui %eq3A_43 : vector<512x640xi1> to vector<512x640xi32>
    %convert_element_type3A_45 = arith.sitofp %convert_element_type3A_44 : vector<512x640xi32> to vector<512x640xf32>
    %sub3A = vector.broadcast %broadcast_in_dim3A_16 : vector<512x1xf32> to vector<512x640xf32>
    %sub3A_46 = arith.subf %select_n3A, %sub3A : vector<512x640xf32>
    %exp3A = math.exp %sub3A_46 : vector<512x640xf32>
    %sub3A_47 = vector.broadcast %broadcast_in_dim3A_19 : vector<512x1xf32> to vector<512x640xf32>
    %sub3A_48 = arith.subf %select_n3A_14, %sub3A_47 : vector<512x640xf32>
    %exp3A_49 = math.exp %sub3A_48 : vector<512x640xf32>
    %reduce_sum3A = arith.constant dense<0.000000e+00> : vector<512xf32>
    %reduce_sum3A_50 = vector.multi_reduction <add>, %exp3A, %reduce_sum3A [1] : vector<512x640xf32> to vector<512xf32>
    %broadcast_in_dim3A_51 = vector.shape_cast %reduce_sum3A_50 : vector<512xf32> to vector<512x1xf32>
    %div3A = vector.broadcast %broadcast_in_dim3A_51 : vector<512x1xf32> to vector<512x640xf32>
    %div3A_52 = arith.divf %exp3A, %div3A : vector<512x640xf32>
    %reduce_sum3A_53 = arith.constant dense<0.000000e+00> : vector<512xf32>
    %reduce_sum3A_54 = vector.multi_reduction <add>, %exp3A_49, %reduce_sum3A_53 [1] : vector<512x640xf32> to vector<512xf32>
    %broadcast_in_dim3A_55 = vector.shape_cast %reduce_sum3A_54 : vector<512xf32> to vector<512x1xf32>
    %div3A_56 = vector.broadcast %broadcast_in_dim3A_55 : vector<512x1xf32> to vector<512x640xf32>
    %div3A_57 = arith.divf %exp3A_49, %div3A_56 : vector<512x640xf32>
    %add3A_58 = arith.addf %div3A_52, %div3A_57 : vector<512x640xf32>
    %add3A_59 = arith.addf %convert_element_type3A_41, %convert_element_type3A_45 : vector<512x640xf32>
    %reduce_sum3A_60 = arith.constant dense<0.000000e+00> : vector<640xf32>
    %reduce_sum3A_61 = vector.multi_reduction <add>, %add3A_59, %reduce_sum3A_60 [0] : vector<512x640xf32> to vector<640xf32>
    %broadcast_in_dim3A_62 = vector.shape_cast %reduce_sum3A_61 : vector<640xf32> to vector<1x640xf32>
    %reduce_sum3A_63 = arith.constant dense<0.000000e+00> : vector<640xf32>
    %reduce_sum3A_64 = vector.multi_reduction <add>, %add3A_58, %reduce_sum3A_63 [0] : vector<512x640xf32> to vector<640xf32>
    %broadcast_in_dim3A_65 = vector.shape_cast %reduce_sum3A_64 : vector<640xf32> to vector<1x640xf32>
    %eq3A_66 = arith.constant 0 : i32
    %eq3A_67 = arith.cmpi eq, %arg0, %eq3A_66 : i32
    %convert_element_type3A_68 = arith.extui %eq3A_67 : i1 to i32
    %cond3A = arith.constant 0 : i32
    %cond3A_69 = arith.cmpi ne, %convert_element_type3A_68, %cond3A : i32
    scf.if %cond3A_69 {
      %swap3A_79 = arith.constant 0 : index
      %swap3A_80 = arith.constant 0 : index
      %swap3A_81 = vector.load %arg8[%swap3A_79, %swap3A_80] : memref<1x640xf32, #tpu.memory_space<vmem>>, vector<1x640xf32>
      tpu.vector_store %arg8[%swap3A_79, %swap3A_80], %broadcast_in_dim3A_62 {strides = array<i32>} : memref<1x640xf32, #tpu.memory_space<vmem>>, vector<1x640xf32>,
      %swap3A_82 = arith.constant 0 : index
      %swap3A_83 = arith.constant 0 : index
      %swap3A_84 = vector.load %arg9[%swap3A_82, %swap3A_83] : memref<1x640xf32, #tpu.memory_space<vmem>>, vector<1x640xf32>
      tpu.vector_store %arg9[%swap3A_82, %swap3A_83], %broadcast_in_dim3A_65 {strides = array<i32>} : memref<1x640xf32, #tpu.memory_space<vmem>>, vector<1x640xf32>,
    } else {
    }
    %ne3A = arith.constant 0 : i32
    %ne3A_70 = arith.cmpi ne, %arg0, %ne3A : i32
    %convert_element_type3A_71 = arith.extui %ne3A_70 : i1 to i32
    %cond3A_72 = arith.constant 0 : i32
    %cond3A_73 = arith.cmpi ne, %convert_element_type3A_71, %cond3A_72 : i32
    scf.if %cond3A_73 {
      %get3A_79 = arith.constant 0 : index
      %get3A_80 = arith.constant 0 : index
      %get3A_81 = vector.load %arg8[%get3A_79, %get3A_80] : memref<1x640xf32, #tpu.memory_space<vmem>>, vector<1x640xf32>
      %add3A_82 = arith.addf %get3A_81, %broadcast_in_dim3A_62 : vector<1x640xf32>
      %swap3A_83 = arith.constant 0 : index
      %swap3A_84 = arith.constant 0 : index
      %swap3A_85 = vector.load %arg8[%swap3A_83, %swap3A_84] : memref<1x640xf32, #tpu.memory_space<vmem>>, vector<1x640xf32>
      tpu.vector_store %arg8[%swap3A_83, %swap3A_84], %add3A_82 {strides = array<i32>} : memref<1x640xf32, #tpu.memory_space<vmem>>, vector<1x640xf32>,
      %get3A_86 = arith.constant 0 : index
      %get3A_87 = arith.constant 0 : index
      %get3A_88 = vector.load %arg9[%get3A_86, %get3A_87] : memref<1x640xf32, #tpu.memory_space<vmem>>, vector<1x640xf32>
      %add3A_89 = arith.addf %get3A_88, %broadcast_in_dim3A_65 : vector<1x640xf32>
      %swap3A_90 = arith.constant 0 : index
      %swap3A_91 = arith.constant 0 : index
      %swap3A_92 = vector.load %arg9[%swap3A_90, %swap3A_91] : memref<1x640xf32, #tpu.memory_space<vmem>>, vector<1x640xf32>
      tpu.vector_store %arg9[%swap3A_90, %swap3A_91], %add3A_89 {strides = array<i32>} : memref<1x640xf32, #tpu.memory_space<vmem>>, vector<1x640xf32>,
    } else {
    }
    %eq3A_74 = arith.constant 15 : i32
    %eq3A_75 = arith.cmpi eq, %arg0, %eq3A_74 : i32
    %convert_element_type3A_76 = arith.extui %eq3A_75 : i1 to i32
    %cond3A_77 = arith.constant 0 : i32
    %cond3A_78 = arith.cmpi ne, %convert_element_type3A_76, %cond3A_77 : i32
    scf.if %cond3A_78 {
      %iota3A_79 = tpu.iota {dimensions = array<i32: 1>} : vector<1x640xi32>
      %lt3A_80 = arith.constant 320 : i32
      %lt3A_81 = vector.broadcast %lt3A_80 : i32 to vector<1x640xi32>
      %lt3A_82 = arith.cmpi slt, %iota3A_79, %lt3A_81 : vector<1x640xi32>
      %get3A_83 = arith.constant 0 : index
      %get3A_84 = arith.constant 0 : index
      %get3A_85 = vector.load %arg8[%get3A_83, %get3A_84] : memref<1x640xf32, #tpu.memory_space<vmem>>, vector<1x640xf32>
      %mul3A = arith.constant 1.22070313E-4 : f32
      %mul3A_86 = vector.broadcast %mul3A : f32 to vector<1x640xf32>
      %mul3A_87 = arith.mulf %get3A_85, %mul3A_86 : vector<1x640xf32>
      %add3A_88 = arith.constant 1.000000e-07 : f32
      %add3A_89 = vector.broadcast %add3A_88 : f32 to vector<1x640xf32>
      %add3A_90 = arith.addf %mul3A_87, %add3A_89 : vector<1x640xf32>
      %log3A = math.log %add3A_90 : vector<1x640xf32>
      %mul3A_91 = arith.mulf %mul3A_87, %log3A : vector<1x640xf32>
      %jit3A_92 = arith.constant 0.000000e+00 : f32
      %broadcast_in_dim3A_93 = vector.broadcast %jit3A_92 : f32 to vector<1x640xf32>
      %select_n3A_94 = arith.select %lt3A_82, %mul3A_91, %broadcast_in_dim3A_93 : vector<1x640xi1>, vector<1x640xf32>
      %reduce_sum3A_95 = vector.shape_cast %select_n3A_94 : vector<1x640xf32> to vector<1x1x640xf32>
      %reduce_sum3A_96 = arith.constant dense<0.000000e+00> : vector<1xf32>
      %reduce_sum3A_97 = vector.multi_reduction <add>, %reduce_sum3A_95, %reduce_sum3A_96 [1, 2] : vector<1x1x640xf32> to vector<1xf32>
      %reduce_sum3A_98 = vector.shape_cast %reduce_sum3A_97 : vector<1xf32> to vector<1x1x1xf32>
      %reduce_sum3A_99 = vector.extract %reduce_sum3A_98[0, 0, 0] : f32 from vector<1x1x1xf32>
      %jit3A_100 = arith.constant 0.000000e+00 : f32
      %broadcast_in_dim3A_101 = vector.broadcast %jit3A_100 : f32 to vector<1x640xf32>
      %select_n3A_102 = arith.select %lt3A_82, %broadcast_in_dim3A_101, %mul3A_91 : vector<1x640xi1>, vector<1x640xf32>
      %reduce_sum3A_103 = vector.shape_cast %select_n3A_102 : vector<1x640xf32> to vector<1x1x640xf32>
      %reduce_sum3A_104 = arith.constant dense<0.000000e+00> : vector<1xf32>
      %reduce_sum3A_105 = vector.multi_reduction <add>, %reduce_sum3A_103, %reduce_sum3A_104 [1, 2] : vector<1x1x640xf32> to vector<1xf32>
      %reduce_sum3A_106 = vector.shape_cast %reduce_sum3A_105 : vector<1xf32> to vector<1x1x1xf32>
      %reduce_sum3A_107 = vector.extract %reduce_sum3A_106[0, 0, 0] : f32 from vector<1x1x1xf32>
      %neg3A = arith.constant 0.000000e+00 : f32
      %neg3A_108 = arith.subf %neg3A, %reduce_sum3A_99 : f32
      %exp3A_109 = math.exp %neg3A_108 : f32
      %neg3A_110 = arith.constant 0.000000e+00 : f32
      %neg3A_111 = arith.subf %neg3A_110, %reduce_sum3A_107 : f32
      %exp3A_112 = math.exp %neg3A_111 : f32
      %add3A_113 = arith.addf %exp3A_109, %exp3A_112 : f32
      %broadcast_in_dim3A_114 = vector.broadcast %add3A_113 : f32 to vector<1x1xf32>
      %swap3A_115 = arith.constant 0 : index
      %swap3A_116 = arith.constant 0 : index
      %swap3A_117 = vector.load %arg6[%swap3A_115, %swap3A_116] : memref<1x1xf32, #tpu.memory_space<vmem>>, vector<1x1xf32>
      tpu.vector_store %arg6[%swap3A_115, %swap3A_116], %broadcast_in_dim3A_114 {strides = array<i32>} : memref<1x1xf32, #tpu.memory_space<vmem>>, vector<1x1xf32>,
      %get3A_118 = arith.constant 0 : index
      %get3A_119 = arith.constant 0 : index
      %get3A_120 = vector.load %arg9[%get3A_118, %get3A_119] : memref<1x640xf32, #tpu.memory_space<vmem>>, vector<1x640xf32>
      %mul3A_121 = arith.constant 1.22070313E-4 : f32
      %mul3A_122 = vector.broadcast %mul3A_121 : f32 to vector<1x640xf32>
      %mul3A_123 = arith.mulf %get3A_120, %mul3A_122 : vector<1x640xf32>
      %add3A_124 = arith.constant 1.000000e-07 : f32
      %add3A_125 = vector.broadcast %add3A_124 : f32 to vector<1x640xf32>
      %add3A_126 = arith.addf %mul3A_123, %add3A_125 : vector<1x640xf32>
      %log3A_127 = math.log %add3A_126 : vector<1x640xf32>
      %mul3A_128 = arith.mulf %mul3A_123, %log3A_127 : vector<1x640xf32>
      %jit3A_129 = arith.constant 0.000000e+00 : f32
      %broadcast_in_dim3A_130 = vector.broadcast %jit3A_129 : f32 to vector<1x640xf32>
      %select_n3A_131 = arith.select %lt3A_82, %mul3A_128, %broadcast_in_dim3A_130 : vector<1x640xi1>, vector<1x640xf32>
      %reduce_sum3A_132 = vector.shape_cast %select_n3A_131 : vector<1x640xf32> to vector<1x1x640xf32>
      %reduce_sum3A_133 = arith.constant dense<0.000000e+00> : vector<1xf32>
      %reduce_sum3A_134 = vector.multi_reduction <add>, %reduce_sum3A_132, %reduce_sum3A_133 [1, 2] : vector<1x1x640xf32> to vector<1xf32>
      %reduce_sum3A_135 = vector.shape_cast %reduce_sum3A_134 : vector<1xf32> to vector<1x1x1xf32>
      %reduce_sum3A_136 = vector.extract %reduce_sum3A_135[0, 0, 0] : f32 from vector<1x1x1xf32>
      %jit3A_137 = arith.constant 0.000000e+00 : f32
      %broadcast_in_dim3A_138 = vector.broadcast %jit3A_137 : f32 to vector<1x640xf32>
      %select_n3A_139 = arith.select %lt3A_82, %broadcast_in_dim3A_138, %mul3A_128 : vector<1x640xi1>, vector<1x640xf32>
      %reduce_sum3A_140 = vector.shape_cast %select_n3A_139 : vector<1x640xf32> to vector<1x1x640xf32>
      %reduce_sum3A_141 = arith.constant dense<0.000000e+00> : vector<1xf32>
      %reduce_sum3A_142 = vector.multi_reduction <add>, %reduce_sum3A_140, %reduce_sum3A_141 [1, 2] : vector<1x1x640xf32> to vector<1xf32>
      %reduce_sum3A_143 = vector.shape_cast %reduce_sum3A_142 : vector<1xf32> to vector<1x1x1xf32>
      %reduce_sum3A_144 = vector.extract %reduce_sum3A_143[0, 0, 0] : f32 from vector<1x1x1xf32>
      %neg3A_145 = arith.constant 0.000000e+00 : f32
      %neg3A_146 = arith.subf %neg3A_145, %reduce_sum3A_136 : f32
      %exp3A_147 = math.exp %neg3A_146 : f32
      %neg3A_148 = arith.constant 0.000000e+00 : f32
      %neg3A_149 = arith.subf %neg3A_148, %reduce_sum3A_144 : f32
      %exp3A_150 = math.exp %neg3A_149 : f32
      %add3A_151 = arith.addf %exp3A_147, %exp3A_150 : f32
      %broadcast_in_dim3A_152 = vector.broadcast %add3A_151 : f32 to vector<1x1xf32>
      %swap3A_153 = arith.constant 0 : index
      %swap3A_154 = arith.constant 0 : index
      %swap3A_155 = vector.load %arg7[%swap3A_153, %swap3A_154] : memref<1x1xf32, #tpu.memory_space<vmem>>, vector<1x1xf32>
      tpu.vector_store %arg7[%swap3A_153, %swap3A_154], %broadcast_in_dim3A_152 {strides = array<i32>} : memref<1x1xf32, #tpu.memory_space<vmem>>, vector<1x1xf32>,
    } else {
    }
    return
  }
  func.func @transform_0(%arg0: i32) -> (i32, i32) {
    %c0_i32 = arith.constant 0 : i32
    %c0_i32_0 = arith.constant 0 : i32
    return %arg0, %c0_i32 : i32, i32
  }
  func.func @transform_1(%arg0: i32) -> (i32, i32) {
    %c0_i32 = arith.constant 0 : i32
    %c0_i32_0 = arith.constant 0 : i32
    %c0_i32_1 = arith.constant 0 : i32
    return %c0_i32, %c0_i32_0 : i32, i32
  }
  func.func @transform_2(%arg0: i32) -> (i32, i32) {
    %c0_i32 = arith.constant 0 : i32
    %c0_i32_0 = arith.constant 0 : i32
    %c0_i32_1 = arith.constant 0 : i32
    return %c0_i32, %c0_i32_0 : i32, i32
  }
  func.func @transform_3(%arg0: i32) -> (i32, i32) {
    %c0_i32 = arith.constant 0 : i32
    %c0_i32_0 = arith.constant 0 : i32
    return %arg0, %c0_i32 : i32, i32
  }
  func.func @transform_4(%arg0: i32) -> (i32, i32) {
    %c0_i32 = arith.constant 0 : i32
    %c0_i32_0 = arith.constant 0 : i32
    return %arg0, %c0_i32 : i32, i32
  }
  func.func @transform_5(%arg0: i32) -> (i32, i32) {
    %c0_i32 = arith.constant 0 : i32
    %c0_i32_0 = arith.constant 0 : i32
    %c0_i32_1 = arith.constant 0 : i32
    return %c0_i32, %c0_i32_0 : i32, i32
  }
  func.func @transform_6(%arg0: i32) -> (i32, i32) {
    %c0_i32 = arith.constant 0 : i32
    %c0_i32_0 = arith.constant 0 : i32
    %c0_i32_1 = arith.constant 0 : i32
    return %c0_i32, %c0_i32_0 : i32, i32
  }
}

</mosaic_0001>

<sc_bundles>
// kernel: kernel.4.cloned.1.call-start
scs
__scs_entry_jumppad:
0x0: {  	(pc) =	sbr.rel $0x88, $3  }
0x1: {  	(tag) =	ssettag $0x0;
	lr =	simm.s32 $0x1  }
0x2: {  	[smem:$0x3F9D] =	sst lr;
	_ =	strace $0xD0000000  }
0x3: {  	_ = 	snop  }
0x4: {  	_ = 	snop  }
0x5: {  	_ = 	snop  }
0x6: {  	_ = 	snop  }
0x7: {  	_ = 	snop  }
__scs_overlays_trampoline_lowered:
0x8: {  	[smem:$0x3FAC] =	sst s0  }
0x9: {  	[smem:$0x3FAD] =	sst s1  }
0xa: {  	[smem:$0x3FAE] =	sst s2  }
0xb: {  	[smem:$0x3FAF] =	sst s3  }
0xc: {  	[smem:$0x3FB0] =	sst s4  }
0xd: {  	[smem:$0x3FB1] =	sst s5  }
0xe: {  	[smem:$0x3FB2] =	sst s6  }
0xf: {  	[smem:$0x3FB3] =	sst s7  }
0x10: {  	[smem:$0x3FB4] =	sst s8  }
0x11: {  	[smem:$0x3FB5] =	sst s9;
	s0 =	simm.s32 @!p0 $0x0  }
0x12: {  	s1 =	sld [smem:$0x3F9B];
	s0 =	simm.s32 @p0 $0x1  }
0x13: {  	[smem:$0x3FB6] =	sst s0;
	s0 =	simm.s32 @!p1 $0x0  }
0x14: {  	s2 =	sld [smem:$0x3F9A];
	s0 =	simm.s32 @p1 $0x1  }
0x15: {  	[smem:$0x3FB7] =	sst s0;
	s0 =	simm.s32 @!p2 $0x0  }
0x16: {  	s3 =	sld [smem:$0x3FDB];
	s0 =	simm.s32 @p2 $0x1  }
0x17: {  	s4 =	simm.s32 $0x1BF5;
	[smem:$0x3FB9] =	sst s0  }
0x18: {  	s0 =	sld [smem:$0x3F9C];
	_ =	swait.ge [sflag:s4], $0x0  }
0x19: {  	s7 =	sld [smem:$0x3F9D]  }
0x1a: {  	s8 =	sadd.s32 $0xFFFFE003, lr  }
0x1b: {  	s9 =	sadd.s32 $0xFFFFFEF7, lr;
	s5 =	simm.s32 $0xFFFFFFFF;
	p2 =	slt.u32 s8, $0xFFFFF086  }
0x1c: {  	p1 =	slt.u32 s9, $0xF7A;
	s5 =	simm.s32 @!p2 $0x0  }
0x1d: {  	s5 =	simm.s32 @p1 $0x1;
	p0 =	seq.s32 s7, s2  }
0x1e: {  	s7 =	smul.u32 @!p0 $0xF7A, s2;
	p2 =	seq.s32 @!p0 s5, $0x0  }
0x1f: {  	s9 =	smul.u32 $0xF7A, s1;
	s8 =	simm.s32 @!p0 $0x1BF5;
	p2 =	por !p2, p0  }
0x20: {  	[sflag:s8] =	ssyncset.s32 @!p0 $0xFFFFF086;
	s6 =	sadd.s32 @!p0 s3, s7;
	s7 =	simm.s32 @!p0 $0x108  }
0x21: {  	s3 =	sadd.s32 s3, s9;
	s6 =	sadd.s32 @!p0 $0x88, s6;
	s7 =	simm.s32 @p2 $0x1082  }
0x22: {  	[simem:s7], [sflag:s8] =	dma.local @!p0 [hbm:s6], $0xF7A  }
0x23: {  	s9 =	sor.u32 $0xD0000000, s2;
	s6 =	simm.s32 $0x108;
	_ =	swait.ge @!p0 [sflag:s8], $0x0  }
0x24: {  	s3 =	sadd.s32 $0x88, s3;
	s6 =	simm.s32 @!p1 $0x1082;
	[sflag:s4] =	ssyncset.s32 $0xFFFFF086  }
0x25: {  	[simem:s6], [sflag:s4] =	dma.local [hbm:s3], $0xF7A  }
0x26: {  	[smem:$0x3F9D] =	sst s1;
	(tag) =	ssettag s2;
	_ =	strace s9  }
0x27: {  	s1 =	sld [smem:$0x3FAD]  }
0x28: {  	s2 =	sld [smem:$0x3FAE]  }
0x29: {  	s4 =	sld [smem:$0x3FB0]  }
0x2a: {  	p0 =	seq.s32 s5, $0x0;
	s5 =	sld [smem:$0x3FB1]  }
0x2b: {  	s6 =	sld [smem:$0x3FB2]  }
0x2c: {  	s7 =	sld [smem:$0x3FB3]  }
0x2d: {  	s3 =	simm.s32 $0x108;
	s8 =	sld [smem:$0x3FB4]  }
0x2e: {  	s3 =	simm.s32 @!p0 $0x1082;
	s9 =	sld [smem:$0x3FB5]  }
0x2f: {  	lr =	sadd.s32 s0, s3;
	s0 =	sld [smem:$0x3FAC]  }
0x30: {  	s3 =	sld [smem:$0x3FAF]  }
0x31: {  	[smem:$0x3FB8] =	sst s10  }
0x32: {  	s10 =	sld [smem:$0x3FB6];
	_ =	sdelay $0x3  }
0x33: {  	p0 =	seq.s32 s10, $0x1;
	s10 =	sld [smem:$0x3FB8];
	_ =	sdelay $0x3  }
0x34: {  	[smem:$0x3FB8] =	sst s10  }
0x35: {  	s10 =	sld [smem:$0x3FB7];
	_ =	sdelay $0x3  }
0x36: {  	p1 =	seq.s32 s10, $0x1;
	s10 =	sld [smem:$0x3FB8];
	_ =	sdelay $0x3  }
0x37: {  	[smem:$0x3FB8] =	sst s10  }
0x38: {  	s10 =	sld [smem:$0x3FB9]  }
0x39: {  	_ = 	snop;
	(pc) =	sbr.ind lr, $3  }
0x3a: {  	_ = 	snop  }
0x3b: {  	_ = 	snop  }
0x3c: {  	p2 =	seq.s32 s10, $0x1;
	s10 =	sld [smem:$0x3FB8]  }
0x3d: {  	_ =	shalt  }
0x3e: {  	_ =	shalt  }
0x3f: {  	_ =	shalt  }
0x40: {  	_ =	shalt  }
0x41: {  	_ =	shalt  }
0x42: {  	_ =	shalt  }
0x43: {  	_ =	shalt  }
0x44: {  	_ =	shalt  }
0x45: {  	_ =	shalt  }
0x46: {  	_ =	shalt  }
0x47: {  	_ =	shalt  }
0x48: {  	_ =	shalt  }
0x49: {  	_ =	shalt  }
0x4a: {  	_ =	shalt  }
0x4b: {  	_ =	shalt  }
0x4c: {  	_ =	shalt  }
0x4d: {  	_ =	shalt  }
0x4e: {  	_ =	shalt  }
0x4f: {  	_ =	shalt  }
0x50: {  	_ =	shalt  }
0x51: {  	_ =	shalt  }
0x52: {  	_ =	shalt  }
0x53: {  	_ =	shalt  }
0x54: {  	_ =	shalt  }
0x55: {  	_ =	shalt  }
0x56: {  	_ =	shalt  }
0x57: {  	_ =	shalt  }
0x58: {  	_ =	shalt  }
0x59: {  	_ =	shalt  }
0x5a: {  	_ =	shalt  }
0x5b: {  	_ =	shalt  }
0x5c: {  	_ =	shalt  }
0x5d: {  	_ =	shalt  }
0x5e: {  	_ =	shalt  }
0x5f: {  	_ =	shalt  }
0x60: {  	_ =	shalt  }
0x61: {  	_ =	shalt  }
0x62: {  	_ =	shalt  }
0x63: {  	_ =	shalt  }
0x64: {  	_ =	shalt  }
0x65: {  	_ =	shalt  }
0x66: {  	_ =	shalt  }
0x67: {  	_ =	shalt  }
0x68: {  	_ =	shalt  }
0x69: {  	_ =	shalt  }
0x6a: {  	_ =	shalt  }
0x6b: {  	_ =	shalt  }
0x6c: {  	_ =	shalt  }
0x6d: {  	_ =	shalt  }
0x6e: {  	_ =	shalt  }
0x6f: {  	_ =	shalt  }
0x70: {  	_ =	shalt  }
0x71: {  	_ =	shalt  }
0x72: {  	_ =	shalt  }
0x73: {  	_ =	shalt  }
0x74: {  	_ =	shalt  }
0x75: {  	_ =	shalt  }
0x76: {  	_ =	shalt  }
0x77: {  	_ =	shalt  }
0x78: {  	_ =	shalt  }
0x79: {  	_ =	shalt  }
0x7a: {  	_ =	shalt  }
0x7b: {  	_ =	shalt  }
0x7c: {  	_ =	shalt  }
0x7d: {  	_ =	shalt  }
0x7e: {  	_ =	shalt  }
0x7f: {  	_ =	shalt  }
0x80: {  	_ =	shalt  }
0x81: {  	_ =	shalt  }
0x82: {  	_ =	shalt  }
0x83: {  	_ =	shalt  }
0x84: {  	_ =	shalt  }
0x85: {  	_ =	shalt  }
0x86: {  	_ =	shalt  }
0x87: {  	_ =	shalt  }
.Lfunc_end0:
.L_simem_size_0:
called_computation_lowered:
.L_overlay_start_0:
0x88: {  	s2 =	sld [smem:$0x3FD9]  }
0x89: {  	s3 =	sld [smem:$0x3FFE];
	_ =	sdelay $0x1  }
0x8a: {  	s1 =	srdreg.scid  }
0x8b: {  	s0 =	sand.u32 $0x1, s1  }
0x8c: {  	s14 =	sshll.u32 s0, $0xA;
	s2 =	sadd.s32 s3, s2  }
0x8d: {  	s2 =	sadd.s32 s2, s14  }
0x8e: {  	[smem:$0x3FC4] =	sst s2  }
0x8f: {  	_ = 	snop  }
0x90: {  	s2 =	sld [smem:$0x3FD0];
	_ =	sdelay $0x2  }
0x91: {  	s4 =	simm.s32 $0xA;
	s5 =	simm.s32 $0x10;
	s15 =	sld [smem:$0x3FC8]  }
0x92: {  	[smem:s5], [sflag:s4] =	dma.local [hbm:s2], $0x1  }
0x93: {  	_ =	swait.eq [sflag:s4], $0x1  }
0x94: {  	[sflag:s4] =	ssyncset.done $0x0  }
0x95: {  	[sflag:s4] =	ssyncadd.s32 $0xFFFFFFFF  }
0x96: {  	s16 =	sld [smem:$0x10];
	(tm) =	ssettm $0x1  }
0x97: {  	s17 =	sld [smem:$0x3FFB];
	_ =	sdelay $0x3  }
0x98: {  	_ =	strace s17  }
0x99: {  	s4 =	sld [smem:$0x3FFC];
	_ =	sdelay $0x3  }
0x9a: {  	_ =	strace s4  }
0x9b: {  	s4 =	sld [smem:$0x3FFD];
	_ =	sdelay $0x3  }
0x9c: {  	_ =	strace s4  }
0x9d: {  	_ =	strace $0x8FFFFFFF  }
0x9e: {  	s18 =	sld [smem:$0x3FDB];
	_ =	sdelay $0x1  }
0x9f: {  	s19 =	simm.s32 $_scs_section_size  }
0xa0: {  	s6 =	simm.s32 $_size__tile_overlayer_lowered;
	s7 =	simm.s32 $_tile_overlayer_lowered  }
0xa1: {  	s22 =	simm.s32 $0x1BFF;
	s21 =	sshll.u32 s7, $0x1;
	s4 =	sadd.s32 s19, s18  }
0xa2: {  	s8 =	simm.s32 $0x0;
	s20 =	sshll.u32 s6, $0x1;
	s6 =	sadd.s32 s21, s4  }
0xa3: {  	[timem:s8], [sflag:s22] =	dma.local [hbm:s6], s20  }
0xa4: {  	_ =	swait.ge [sflag:s22], s20  }
0xa5: {  	s5 =	ssub.s32 $0x0, s20;
	[sflag:s22] =	ssyncset.done $0x0  }
0xa6: {  	[sflag:s22] =	ssyncadd.s32 s5;
	_ =	sdelay $0x1  }
0xa7: {  	s23 =	simm.s32 $0x1B8B  }
0xa8: {  	_ =	swait.ge [sflag:s23], $0x1  }
0xa9: {  	[sflag:s23] =	ssyncset.done $0x0  }
0xaa: {  	s25 =	simm.s32 $0x1B8E;
	s24 =	sld [smem:$0x3FFE];
	[sflag:s23] =	ssyncadd.s32 $0xFFFFFFFF  }
0xab: {  	s26 =	simm.s32 $execute0_lowered;
	[smem:$0x3FD2] =	sst s25  }
0xac: {  	s6 =	sshll.u32 s26, $0x1;
	_ =	strace $0x80000046;
	[dreg:$0x1] =	wrdreg $0xFFFFFFFF  }
0xad: {  	s28 =	simm.s32 $_size_execute0_lowered;
	s4 =	sadd.s32 s4, s6;
	[dreg:$0x0] =	wrdreg $0x0  }
0xae: {  	s6 =	sshll.u32 s28, $0x1;
	[dreg:$0x2] =	wrdreg s4  }
0xaf: {  	[dreg:$0x3] =	wrdreg s6  }
0xb0: {  	[dreg:$0x4] =	wrdreg $0xC0  }
0xb1: {  	_ =	task [dreg:s8], $0x5FFFF  }
0xb2: {  	[dreg:$0x1] =	wrdreg $0xFFFFFFFF  }
0xb3: {  	[dreg:$0x0] =	wrdreg $0x60  }
0xb4: {  	[dreg:$0x2] =	wrdreg s24  }
0xb5: {  	[dreg:$0x3] =	wrdreg s15  }
0xb6: {  	[dreg:$0x4] =	wrdreg s16  }
0xb7: {  	[dreg:$0x5] =	wrdreg $0x9  }
0xb8: {  	_ =	task.clear_ibuf [dreg:s8], $0x6FFFF;
	_ =	strace $0x90000046  }
0xb9: {  	s29 =	simm.s32 $0x9;
	_ =	strace $0x80000048  }
0xba: {  	_ =	swait.ge [sflag:s29], $0x1  }
0xbb: {  	[sflag:s29] =	ssyncadd.s32 $0xFFFFFFFF  }
0xbc: {  	_ =	strace $0x90000048  }
0xbd: {  	_ =	sfence  }
0xbe: {  	s30 =	sld [smem:$0x0];
	_ =	sdelay $0x2  }
0xbf: {  	s31 =	sshll.u32 s1, $0xD;
	s1 =	sshrl.u32 s1, $0x2  }
0xc0: {  	s3 =	sand.u32 $0x4000, s31;
	s1 =	sadd.s32 s1, s30  }
0xc1: {  	s0 =	sor.u32 s3, s0;
	s1 =	sshll.u32 s1, $0x11  }
0xc2: {  	s0 =	sor.u32 s1, s0  }
0xc3: {  	s0 =	sadd.s32 $0x8F2B, s0  }
0xc4: {  	[sflag:s0] =	ssyncadd.remote.s32 $0x1  }
0xc5: {  	_ =	sfence.sel $0xFFFF  }
0xc6: {  	[dreg:$0x0] =	wrdreg $0xFFFFFFFF;
	(pc) =	sbr.abs _section_cstart, $3  }
0xc7: {  	[dreg:$0x1] =	wrdreg $0xFFFFFFFF  }
0xc8: {  	_ =	task.clear_ibuf [dreg:s8], $0x2FFFF;
	_ =	strace $0x9FFFFFFF  }
0xc9: {  	(tm) =	ssettm $0x7FFFFFFF  }
tec
execute0_lowered:
.L_overlay_start_1:
0x0: {  	(tag) =	ssettag $0x1  }
0x1: {  	s4 =	rddreg [dreg:$0x0];
	s1 =	srdreg.scid  }
0x2: {  	s2 =	rddreg [dreg:$0x1];
	s0 =	stileid.u32;
	s10 =	sand.u32 $0x1, s1  }
0x3: {  	s11 =	rddreg [dreg:$0x2];
	s6 =	sshll.u32 s0, $0x8;
	s5 =	sshll.u32 s10, $0xC  }
0x4: {  	s3 =	simm.s32 $0x0;
	s1 =	rddreg [dreg:$0x3];
	s12 =	sor.u32 s6, s5  }
0x5: {  	[smem:$0x7FF] =	sst s3;
	s5 =	sshrl.u32 s12, $0x3  }
0x6: {  	_ =	strace $0x80000047;
	s5 =	sadd.s32 s4, s5;
	s4 =	simm.s32 $0x1  }
0x7: {  	[tilespmem:s3], [sflag:$0x1] =	stream.linear.gather [hbm4b:s5+s3], $0x100, $0x38;
	[tilespmem:$0x10200] =	vst v63  }
0x8: {  	_ =	swait.ge [sflag:s4], $0x100  }
0x9: {  	[sflag:s4] =	ssyncset.done $0x0  }
0xa: {  	s7 =	simm.s32 $0x100;
	s6 =	sadd.s32 $0x400, s5;
	[sflag:s4] =	ssyncadd.s32 $0xFFFFFF00  }
0xb: {  	[tilespmem:s7], [sflag:$0x1] =	stream.linear.gather [hbm4b:s6+s3], $0x100, $0x38;
	[tilespmem:$0x10200] =	vst v63  }
0xc: {  	_ =	swait.ge [sflag:s4], $0x100  }
0xd: {  	[sflag:s4] =	ssyncset.done $0x0  }
0xe: {  	s8 =	simm.s32 $0x200;
	[sflag:s4] =	ssyncadd.s32 $0xFFFFFF00  }
0xf: {  	[tilespmem:s8], [sflag:$0x1] =	stream.indirect.gather [hbm4b:s2+s7], $0x80, s3, s7, $0xb8;
	[tilespmem:$0x10200] =	vst v63  }
0x10: {  	_ =	swait.ge [sflag:s4], $0x8000  }
0x11: {  	s13 =	ssub.s32 $0x2, s10;
	[sflag:s4] =	ssyncset.done $0x0  }
0x12: {  	s9 =	simm.s32 $0x8200;
	s14 =	sshrl.u32 s13, $0x1;
	[sflag:s4] =	ssyncadd.s32 $0xFFFF8000  }
0x13: {  	[tilespmem:s9], [sflag:$0x1] =	stream.indirect.gather [hbm4b:s2+s7], $0x80, s7, s7, $0xb8;
	[tilespmem:$0x10200] =	vst v63  }
0x14: {  	s12 =	sshll.u32 s12, $0x5;
	s14 =	ssub.s32 s13, s14;
	_ =	swait.ge [sflag:s4], $0x8000  }
0x15: {  	s10 =	sadd.s32 s11, s12;
	s11 =	simm.s32 $0x400;
	[sflag:s4] =	ssyncset.done $0x0  }
0x16: {  	s12 =	simm.s32 $0x800;
	s14 =	smax.u32 s14, $0x1;
	[sflag:s4] =	ssyncadd.s32 $0xFFFF8000  }
0x17: {  	[hbm4b:s10+s11] =	stream.strided.scatter [tilespmem:s8], [sflag:$0x1], $0x8000, s12, s11, $0x38;
	[tilespmem:$0x10200] =	vst v63  }
0x18: {  	p0 =	sne.s32 s14, $0x1;
	_ =	swait.ge [sflag:s4], $0x8000  }
.Ltmp0:
0x19: {  	[sflag:s4] =	ssyncset.done $0x0;
	(pc) =	sbr.rel @!p0 .LBB2_2-.Ltmp0, $4  }
0x1a: {  	s13 =	sadd.s32 $0x80, s10;
	[sflag:s4] =	ssyncadd.s32 $0xFFFF8000  }
0x1b: {  	[hbm4b:s13+s11] =	stream.strided.scatter [tilespmem:s9], [sflag:$0x1], $0x8000, s12, s11, $0x38;
	[tilespmem:$0x10200] =	vst v63  }
0x1c: {  	_ =	swait.ge [sflag:s4], $0x8000  }
0x1d: {  	s14 =	sadd.s32 $0xFFFFFFFF, s14;
	[sflag:s4] =	ssyncset.done $0x0  }
.LBB2_1:
0x1e: {  	p0 =	sne.s32 s14, $0x1;
	s14 =	sadd.s32 $0xFFFFFFFF, s14;
	[sflag:s4] =	ssyncadd.s32 $0xFFFF8000  }
0x1f: {  	[tilespmem:s3], [sflag:$0x1] =	stream.linear.gather [hbm4b:s5+s3], $0x100, $0x38;
	[tilespmem:$0x10200] =	vst v63  }
0x20: {  	_ =	swait.ge [sflag:s4], $0x100  }
0x21: {  	[sflag:s4] =	ssyncset.done $0x0  }
0x22: {  	[sflag:s4] =	ssyncadd.s32 $0xFFFFFF00  }
0x23: {  	[tilespmem:s7], [sflag:$0x1] =	stream.linear.gather [hbm4b:s6+s3], $0x100, $0x38;
	[tilespmem:$0x10200] =	vst v63  }
0x24: {  	_ =	swait.ge [sflag:s4], $0x100  }
0x25: {  	[sflag:s4] =	ssyncset.done $0x0  }
0x26: {  	[sflag:s4] =	ssyncadd.s32 $0xFFFFFF00  }
0x27: {  	[tilespmem:s8], [sflag:$0x1] =	stream.indirect.gather [hbm4b:s2+s7], $0x80, s3, s7, $0xb8;
	[tilespmem:$0x10200] =	vst v63  }
0x28: {  	_ =	swait.ge [sflag:s4], $0x8000  }
0x29: {  	[sflag:s4] =	ssyncset.done $0x0  }
0x2a: {  	[sflag:s4] =	ssyncadd.s32 $0xFFFF8000  }
0x2b: {  	[tilespmem:s9], [sflag:$0x1] =	stream.indirect.gather [hbm4b:s2+s7], $0x80, s7, s7, $0xb8;
	[tilespmem:$0x10200] =	vst v63  }
0x2c: {  	_ =	swait.ge [sflag:s4], $0x8000  }
0x2d: {  	[sflag:s4] =	ssyncset.done $0x0  }
0x2e: {  	[sflag:s4] =	ssyncadd.s32 $0xFFFF8000  }
0x2f: {  	[hbm4b:s10+s11] =	stream.strided.scatter [tilespmem:s8], [sflag:$0x1], $0x8000, s12, s11, $0x38;
	[tilespmem:$0x10200] =	vst v63  }
0x30: {  	_ =	swait.ge [sflag:s4], $0x8000  }
.Ltmp1:
0x31: {  	[sflag:s4] =	ssyncset.done $0x0;
	(pc) =	sbr.rel @p0 .LBB2_1-.Ltmp1, $4  }
0x32: {  	[sflag:s4] =	ssyncadd.s32 $0xFFFF8000  }
0x33: {  	[hbm4b:s13+s11] =	stream.strided.scatter [tilespmem:s9], [sflag:$0x1], $0x8000, s12, s11, $0x38;
	[tilespmem:$0x10200] =	vst v63  }
0x34: {  	_ =	swait.ge [sflag:s4], $0x8000  }
0x35: {  	[sflag:s4] =	ssyncset.done $0x0  }
.LBB2_2:
0x36: {  	[sflag:s4] =	ssyncadd.s32 $0xFFFF8000  }
0x37: {  	_ =	sfence.sel $0x180000  }
0x38: {  	[bflag:$0x0] =	sbarrier.arrive $0xFFFF  }
0x39: {  	p0 =	sne.s32 s0, $0x0;
	_ =	strace $0x90000047  }
0x3a: {  	s0 =	sadd.s32 @!p0 $0x100000, s1;
	[bflag:$0x2] =	sbarrier.arrive $0xFFFF  }
0x3b: {  	[sflag:s0] =	ssyncadd.tile.s32 @!p0 $0x1;
	_ =	shalt  }
.Lfunc_end2:
_tile_overlayer_lowered:
.L_overlay_start_2:
0x3c: {  	(tag) =	ssettag $0x2  }
0x3d: {  	s0 =	rddreg [dreg:$0x0];
	s2 =	stileid.u32  }
0x3e: {  	s1 =	rddreg [dreg:$0x1];
	p0 =	sne.s32 s2, $0x0  }
0x3f: {  	s3 =	rddreg [dreg:$0x2];
	[bflag:$0x3] =	sbarrier.arrive $0xFFFF;
	s2 =	simm.s32 @!p0 $0x1C01  }
0x40: {  	[timem:s3], [sflag:s2] =	dma.local @!p0 [hbm:s0], s1  }
0x41: {  	s0 =	simm.s32 @!p0 $0x1  }
0x42: {  	_ =	swait.ge @!p0 [sflag:s0], s1  }
0x43: {  	s1 =	ssub.s32 @!p0 $0x0, s1;
	[sflag:s0] =	ssyncset.done @!p0 $0x0  }
0x44: {  	[sflag:s0] =	ssyncadd.s32 @!p0 s1  }
0x45: {  	[bflag:$0x3] =	sbarrier.arrive $0xFFFF  }
0x46: {  	_ =	shalt  }

</sc_bundles>
